<compile_context>
chip_gen: v7x
topology: tpu7x:2x2x1
jax: 0.10.2.dev20260603
libtpu: 0.0.44.dev20260713+nightly
codegen_flags: <defaults>
</compile_context>

<pallas_src>
import math

import jax
import jax.numpy as jnp
from jax import lax
from jax.experimental import pallas as pl
from jax.experimental.pallas import tpu as pltpu

_TEMP = 10000.0
_SCALE = 2.0 * math.pi
_EPS_POS = 1e-6
_EPS_LN = 1e-12
_HALF_PI = 0.5 * math.pi
_LANES = 128


def _body(tv_ref, tq_ref, tt_col_ref, tt_row_ref, w_col_ref, b_col_ref,
          w_row_ref, b_row_ref, otv_ref, otq_ref,
          pos2d_ref, pos1d_ref, w_exp_ref, b_exp_ref):
    b = pl.program_id(0)
    C, S, L = pos2d_ref.shape
    N = pos1d_ref.shape[0]
    HW = S * L
    H = 32
    W = HW // H

    @pl.when(b == 0)
    def _init():
        ci = lax.broadcasted_iota(jnp.int32, (C, S, L), 0)
        si = lax.broadcasted_iota(jnp.int32, (C, S, L), 1)
        li = lax.broadcasted_iota(jnp.int32, (C, S, L), 2)
        hw = si * L + li
        half = C // 2
        is_y = ci < half
        embed = jnp.where(is_y,
                          (hw // W + 1).astype(jnp.float32) * (_SCALE / (H + _EPS_POS)),
                          (hw % W + 1).astype(jnp.float32) * (_SCALE / (W + _EPS_POS)))
        j = jnp.where(is_y, ci, ci - half)
        expo = (2.0 / half) * (j // 2).astype(jnp.float32)
        inv_dim_t = jnp.exp(expo * (-math.log(_TEMP)))
        phase = (ci % 2).astype(jnp.float32) * _HALF_PI
        pos = jnp.sin(embed * inv_dim_t + phase)
        tt1 = tt_col_ref[:, 1:2]
        pos2d_ref[...] = pos + tt1[:, :, None]

        w1 = w_col_ref[...]
        b1 = b_col_ref[...]
        w_exp_ref[...] = jnp.broadcast_to(w1[:, :, None], (C, S, L))
        b_exp_ref[...] = jnp.broadcast_to(b1[:, :, None], (C, S, L))

        ni = lax.broadcasted_iota(jnp.int32, (N, C), 0).astype(jnp.float32)
        cj = lax.broadcasted_iota(jnp.int32, (N, C), 1)
        expo1 = (2.0 / C) * (cj // 2).astype(jnp.float32)
        inv_dim_t1 = jnp.exp(expo1 * (-math.log(_TEMP)))
        phase1 = (cj % 2).astype(jnp.float32) * _HALF_PI
        pos1d_ref[...] = jnp.sin(ni * inv_dim_t1 + phase1) + tt_row_ref[0:1, :]

    t = jnp.reshape(tv_ref[...], (C, S, L)) + pos2d_ref[...]
    s = jnp.sum(t, axis=0, keepdims=True)
    sq = jnp.sum(t * t, axis=0, keepdims=True)
    mu = s * (1.0 / C)
    var = sq * (1.0 / C) - mu * mu
    inv = lax.rsqrt(var + _EPS_LN)
    y = (t - mu) * inv * w_exp_ref[...] + b_exp_ref[...]
    otv_ref[...] = jnp.reshape(y, (C * S, L))

    q = tq_ref[...] + pos1d_ref[...]
    mu1 = jnp.mean(q, axis=1, keepdims=True)
    qc = q - mu1
    var1 = jnp.mean(qc * qc, axis=1, keepdims=True)
    otq_ref[...] = (qc * lax.rsqrt(var1 + _EPS_LN) * w_row_ref[...]
                    + b_row_ref[...])


def kernel(input_tv, input_tq, tv_positions, tq_positions, token_type_table,
           ln_weight, ln_bias):
    B, C, H, W = input_tv.shape
    N = input_tq.shape[1]
    HW = H * W
    S = HW // _LANES
    ROWS = C * S

    tvL = input_tv.reshape(B * ROWS, _LANES)
    tq2 = input_tq.reshape(B * N, C)
    tt_col = token_type_table.T
    w_col = ln_weight.reshape(C, 1)
    b_col = ln_bias.reshape(C, 1)
    w_row = ln_weight.reshape(1, C)
    b_row = ln_bias.reshape(1, C)

    otv, otq = pl.pallas_call(
        _body,
        grid=(B,),
        in_specs=[
            pl.BlockSpec((ROWS, _LANES), lambda b: (b, 0)),
            pl.BlockSpec((N, C), lambda b: (b, 0)),
            pl.BlockSpec((C, 2), lambda b: (0, 0)),
            pl.BlockSpec((2, C), lambda b: (0, 0)),
            pl.BlockSpec((C, 1), lambda b: (0, 0)),
            pl.BlockSpec((C, 1), lambda b: (0, 0)),
            pl.BlockSpec((1, C), lambda b: (0, 0)),
            pl.BlockSpec((1, C), lambda b: (0, 0)),
        ],
        out_specs=[
            pl.BlockSpec((ROWS, _LANES), lambda b: (b, 0)),
            pl.BlockSpec((N, C), lambda b: (b, 0)),
        ],
        out_shape=[
            jax.ShapeDtypeStruct((B * ROWS, _LANES), jnp.float32),
            jax.ShapeDtypeStruct((B * N, C), jnp.float32),
        ],
        scratch_shapes=[
            pltpu.VMEM((C, S, _LANES), jnp.float32),
            pltpu.VMEM((N, C), jnp.float32),
            pltpu.VMEM((C, S, _LANES), jnp.float32),
            pltpu.VMEM((C, S, _LANES), jnp.float32),
        ],
        compiler_params=pltpu.CompilerParams(
            dimension_semantics=("arbitrary",),
        ),
    )(tvL, tq2, tt_col, token_type_table, w_col, b_col, w_row, b_row)

    return otv.reshape(B, C, H, W), otq.reshape(B, N, C)

# --- scband reference (transcript-rebuilt; emitter-appended) ---
"""Pipeline reference for scband-va-qembedder-33535104647224 (READ-ONLY COPY).

The authoritative reference and input builder live on the scoring server;
editing this copy changes nothing except your own understanding.
"""

import math
import jax, jax.numpy as jnp
import numpy as np

EMB = 768
EPS_LN = 1e-12


def _sin2d(B, H, W, enc_features, temperature=10000.0, scale=2.0 * math.pi):
    not_mask = jnp.ones((B, H, W), dtype=jnp.float32)
    y_embed = jnp.cumsum(not_mask, axis=1)
    x_embed = jnp.cumsum(not_mask, axis=2)
    eps = 1e-6
    y_embed = y_embed / (y_embed[:, -1:, :] + eps) * scale
    x_embed = x_embed / (x_embed[:, :, -1:] + eps) * scale
    npf = enc_features // 2
    dim_t = jnp.arange(npf, dtype=jnp.float32)
    dim_t = temperature ** (2.0 * jnp.floor(dim_t / 2.0) / npf)
    pos_x = x_embed[..., None] / dim_t
    pos_y = y_embed[..., None] / dim_t
    pos_x = jnp.stack([jnp.sin(pos_x[..., 0::2]), jnp.cos(pos_x[..., 1::2])], axis=4).reshape(B, H, W, -1)
    pos_y = jnp.stack([jnp.sin(pos_y[..., 0::2]), jnp.cos(pos_y[..., 1::2])], axis=4).reshape(B, H, W, -1)
    return jnp.concatenate([pos_y, pos_x], axis=3)


def _sin1d(B, N, enc_features, temperature=10000.0):
    pos_ids = jnp.broadcast_to(jnp.arange(N, dtype=jnp.float32)[None, :], (B, N))
    dim_t = jnp.arange(enc_features, dtype=jnp.float32)
    dim_t = temperature ** (2.0 * jnp.floor(dim_t / 2.0) / enc_features)
    pos = pos_ids[..., None] / dim_t
    pos = jnp.stack([jnp.sin(pos[..., 0::2]), jnp.cos(pos[..., 1::2])], axis=3).reshape(B, N, -1)
    return pos


def _layernorm(x, w, b):
    mu = jnp.mean(x, axis=-1, keepdims=True)
    var = jnp.var(x, axis=-1, keepdims=True)
    return (x - mu) / jnp.sqrt(var + EPS_LN) * w + b


def setup_inputs(seed: int = 0):
    key = jax.random.key(seed)
    k1, k2, k3, k4, k5 = jax.random.split(key, 5)
    B, C, H, W = 16, EMB, 32, 32
    N = 64
    input_tv = jax.random.normal(k1, (B, C, H, W), dtype=jnp.float32)
    input_tq = jax.random.normal(k2, (B, N, C), dtype=jnp.float32)
    tv_positions = jax.random.uniform(k3, (B, H, W), dtype=jnp.float32)
    tq_positions = jax.random.uniform(k4, (B, N), dtype=jnp.float32)
    token_type_table = jax.random.normal(k5, (2, C), dtype=jnp.float32) * 0.02
    ln_weight = jnp.ones((C,), dtype=jnp.float32)
    ln_bias = jnp.zeros((C,), dtype=jnp.float32)
    return {"input_tv": input_tv, "input_tq": input_tq, "tv_positions": tv_positions, "tq_positions": tq_positions, "token_type_table": token_type_table, "ln_weight": ln_weight, "ln_bias": ln_bias}


def reference(input_tv, input_tq, tv_positions, tq_positions, token_type_table, ln_weight, ln_bias):
    B, H, W = tv_positions.shape[0], tv_positions.shape[1], tv_positions.shape[2]
    C = input_tv.shape[1]
    N = tq_positions.shape[1]
    # position encodings (is_custom_position_ids=False: only shapes are used)
    tv_pos = _sin2d(B, H, W, C)  # [B, H, W, C]
    tq_pos = _sin1d(B, N, C)     # [B, N, C]
    # token type embedding lookup: visual -> ones (row 1), tquery -> zeros (row 0)
    visual_ids = jnp.ones((B, H, W), dtype=jnp.int32)
    tquery_ids = jnp.zeros((B, N), dtype=jnp.int32)
    tv_type = jnp.take(token_type_table, visual_ids, axis=0)  # [B, H, W, C]
    tq_type = jnp.take(token_type_table, tquery_ids, axis=0)  # [B, N, C]
    tv_pos_p = jnp.transpose(tv_pos, (0, 3, 1, 2))
    tv_type_p = jnp.transpose(tv_type, (0, 3, 1, 2))
    tv = input_tv + tv_pos_p + tv_type_p
    tq = input_tq + tq_pos + tq_type
    tv = jnp.transpose(tv.reshape(B, C, H * W), (0, 2, 1))
    tv = _layernorm(tv, ln_weight, ln_bias)
    tq = _layernorm(tq, ln_weight, ln_bias)
    # dropout with p=0.0 is identity
    tv = jnp.transpose(tv, (0, 2, 1)).reshape(B, C, H, W)
    return (tv, tq)

if __name__ == "__main__":
    import jax
    _d = setup_inputs()
    print(jax.jit(kernel)(*tuple(_d.values())))

</pallas_src>

<mosaic_0001>
module attributes {stable_mosaic.version = 14 : i64} {
  func.func @_body(%arg0: i32, %arg1: memref<6144x128xf32, #tpu.memory_space<vmem>>, %arg2: memref<64x768xf32, #tpu.memory_space<vmem>>, %arg3: memref<768x2xf32, #tpu.memory_space<vmem>>, %arg4: memref<2x768xf32, #tpu.memory_space<vmem>>, %arg5: memref<768x1xf32, #tpu.memory_space<vmem>>, %arg6: memref<768x1xf32, #tpu.memory_space<vmem>>, %arg7: memref<1x768xf32, #tpu.memory_space<vmem>>, %arg8: memref<1x768xf32, #tpu.memory_space<vmem>>, %arg9: memref<6144x128xf32, #tpu.memory_space<vmem>>, %arg10: memref<64x768xf32, #tpu.memory_space<vmem>>, %arg11: memref<768x8x128xf32, #tpu.memory_space<vmem>>, %arg12: memref<64x768xf32, #tpu.memory_space<vmem>>, %arg13: memref<768x8x128xf32, #tpu.memory_space<vmem>>, %arg14: memref<768x8x128xf32, #tpu.memory_space<vmem>>) attributes {dimension_semantics = [#tpu.dimension_semantics<arbitrary>], iteration_bounds = array<i64: 16>, scalar_prefetch = 0 : i64, scratch_operands = 4 : i64, tpu.core_type = #tpu.core_type<tc>, window_params = [{transform_indices = @transform_0, window_bounds = array<i64: 6144, 128>}, {transform_indices = @transform_1, window_bounds = array<i64: 64, 768>}, {pipeline_mode = #tpu.pipeline_mode<synchronous>, transform_indices = @transform_2, window_bounds = array<i64: 768, 2>}, {pipeline_mode = #tpu.pipeline_mode<synchronous>, transform_indices = @transform_3, window_bounds = array<i64: 2, 768>}, {pipeline_mode = #tpu.pipeline_mode<synchronous>, transform_indices = @transform_4, window_bounds = array<i64: 768, 1>}, {pipeline_mode = #tpu.pipeline_mode<synchronous>, transform_indices = @transform_5, window_bounds = array<i64: 768, 1>}, {pipeline_mode = #tpu.pipeline_mode<synchronous>, transform_indices = @transform_6, window_bounds = array<i64: 1, 768>}, {pipeline_mode = #tpu.pipeline_mode<synchronous>, transform_indices = @transform_7, window_bounds = array<i64: 1, 768>}, {transform_indices = @transform_8, window_bounds = array<i64: 6144, 128>}, {transform_indices = @transform_9, window_bounds = array<i64: 64, 768>}]} {
    %eq3A = arith.constant 0 : i32
    %eq3A_0 = arith.cmpi eq, %arg0, %eq3A : i32
    %convert_element_type3A = arith.extui %eq3A_0 : i1 to i32
    %cond3A = arith.constant 0 : i32
    %cond3A_1 = arith.cmpi ne, %convert_element_type3A, %cond3A : i32
    scf.if %cond3A_1 {
      %iota3A = tpu.iota {dimensions = array<i32: 0>} : vector<768x8x128xi32>
      %iota3A_79 = tpu.iota {dimensions = array<i32: 1>} : vector<768x8x128xi32>
      %iota3A_80 = tpu.iota {dimensions = array<i32: 2>} : vector<768x8x128xi32>
      %mul3A_81 = arith.constant 128 : i32
      %mul3A_82 = vector.broadcast %mul3A_81 : i32 to vector<768x8x128xi32>
      %mul3A_83 = arith.muli %iota3A_79, %mul3A_82 : vector<768x8x128xi32>
      %add3A_84 = arith.addi %mul3A_83, %iota3A_80 : vector<768x8x128xi32>
      %lt3A = arith.constant 384 : i32
      %lt3A_85 = vector.broadcast %lt3A : i32 to vector<768x8x128xi32>
      %lt3A_86 = arith.cmpi slt, %iota3A, %lt3A_85 : vector<768x8x128xi32>
      %jit3A = arith.constant 32 : i32
      %div3A_87 = vector.broadcast %jit3A : i32 to vector<768x8x128xi32>
      %div3A_88 = arith.divsi %add3A_84, %div3A_87 : vector<768x8x128xi32>
      %sign3A = arith.constant 0 : i32
      %sign3A_89 = vector.broadcast %sign3A : i32 to vector<768x8x128xi32>
      %sign3A_90 = arith.cmpi sgt, %add3A_84, %sign3A_89 : vector<768x8x128xi32>
      %sign3A_91 = arith.extui %sign3A_90 : vector<768x8x128xi1> to vector<768x8x128xi32>
      %sign3A_92 = arith.constant 0 : i32
      %sign3A_93 = vector.broadcast %sign3A_92 : i32 to vector<768x8x128xi32>
      %sign3A_94 = arith.cmpi slt, %add3A_84, %sign3A_93 : vector<768x8x128xi32>
      %sign3A_95 = arith.extui %sign3A_94 : vector<768x8x128xi1> to vector<768x8x128xi32>
      %sign3A_96 = arith.subi %sign3A_91, %sign3A_95 : vector<768x8x128xi32>
      %sign3A_97 = arith.constant 0 : i32
      %sign3A_98 = arith.cmpi sgt, %jit3A, %sign3A_97 : i32
      %sign3A_99 = arith.extui %sign3A_98 : i1 to i32
      %sign3A_100 = arith.constant 0 : i32
      %sign3A_101 = arith.cmpi slt, %jit3A, %sign3A_100 : i32
      %sign3A_102 = arith.extui %sign3A_101 : i1 to i32
      %sign3A_103 = arith.subi %sign3A_99, %sign3A_102 : i32
      %ne3A = vector.broadcast %sign3A_103 : i32 to vector<768x8x128xi32>
      %ne3A_104 = arith.cmpi ne, %sign3A_96, %ne3A : vector<768x8x128xi32>
      %rem3A = vector.broadcast %jit3A : i32 to vector<768x8x128xi32>
      %rem3A_105 = arith.remsi %add3A_84, %rem3A : vector<768x8x128xi32>
      %ne3A_106 = arith.constant 0 : i32
      %ne3A_107 = vector.broadcast %ne3A_106 : i32 to vector<768x8x128xi32>
      %ne3A_108 = arith.cmpi ne, %rem3A_105, %ne3A_107 : vector<768x8x128xi32>
      %and3A = arith.andi %ne3A_104, %ne3A_108 : vector<768x8x128xi1>
      %sub3A_109 = arith.constant 1 : i32
      %sub3A_110 = vector.broadcast %sub3A_109 : i32 to vector<768x8x128xi32>
      %sub3A_111 = arith.subi %div3A_88, %sub3A_110 : vector<768x8x128xi32>
      %select_n3A = arith.select %and3A, %sub3A_111, %div3A_88 : vector<768x8x128xi1>, vector<768x8x128xi32>
      %add3A_112 = arith.constant 1 : i32
      %add3A_113 = vector.broadcast %add3A_112 : i32 to vector<768x8x128xi32>
      %add3A_114 = arith.addi %select_n3A, %add3A_113 : vector<768x8x128xi32>
      %convert_element_type3A_115 = arith.sitofp %add3A_114 : vector<768x8x128xi32> to vector<768x8x128xf32>
      %mul3A_116 = arith.constant 0.196349531 : f32
      %mul3A_117 = vector.broadcast %mul3A_116 : f32 to vector<768x8x128xf32>
      %mul3A_118 = arith.mulf %convert_element_type3A_115, %mul3A_117 : vector<768x8x128xf32>
      %jit3A_119 = arith.constant 32 : i32
      %eq3A_120 = arith.constant 0 : i32
      %eq3A_121 = arith.cmpi eq, %jit3A_119, %eq3A_120 : i32
      %jit3A_122 = arith.constant 1 : i32
      %select_n3A_123 = arith.select %eq3A_121, %jit3A_122, %jit3A_119 : i32
      %rem3A_124 = vector.broadcast %select_n3A_123 : i32 to vector<768x8x128xi32>
      %rem3A_125 = arith.remsi %add3A_84, %rem3A_124 : vector<768x8x128xi32>
      %ne3A_126 = arith.constant 0 : i32
      %ne3A_127 = vector.broadcast %ne3A_126 : i32 to vector<768x8x128xi32>
      %ne3A_128 = arith.cmpi ne, %rem3A_125, %ne3A_127 : vector<768x8x128xi32>
      %lt3A_129 = arith.constant 0 : i32
      %lt3A_130 = vector.broadcast %lt3A_129 : i32 to vector<768x8x128xi32>
      %lt3A_131 = arith.cmpi slt, %rem3A_125, %lt3A_130 : vector<768x8x128xi32>
      %lt3A_132 = arith.constant 0 : i32
      %lt3A_133 = arith.cmpi slt, %select_n3A_123, %lt3A_132 : i32
      %ne3A_134 = vector.broadcast %lt3A_133 : i1 to vector<768x8x128xi1>
      %ne3A_135 = vector.broadcast %ne3A_134 : vector<768x8x128xi1> to vector<768x8x128xi1>
      %ne3A_136 = arith.xori %lt3A_131, %ne3A_135 : vector<768x8x128xi1>
      %and3A_137 = arith.andi %ne3A_136, %ne3A_128 : vector<768x8x128xi1>
      %add3A_138 = vector.broadcast %select_n3A_123 : i32 to vector<768x8x128xi32>
      %add3A_139 = arith.addi %rem3A_125, %add3A_138 : vector<768x8x128xi32>
      %select_n3A_140 = arith.select %and3A_137, %add3A_139, %rem3A_125 : vector<768x8x128xi1>, vector<768x8x128xi32>
      %add3A_141 = arith.constant 1 : i32
      %add3A_142 = vector.broadcast %add3A_141 : i32 to vector<768x8x128xi32>
      %add3A_143 = arith.addi %select_n3A_140, %add3A_142 : vector<768x8x128xi32>
      %convert_element_type3A_144 = arith.sitofp %add3A_143 : vector<768x8x128xi32> to vector<768x8x128xf32>
      %mul3A_145 = arith.constant 0.196349531 : f32
      %mul3A_146 = vector.broadcast %mul3A_145 : f32 to vector<768x8x128xf32>
      %mul3A_147 = arith.mulf %convert_element_type3A_144, %mul3A_146 : vector<768x8x128xf32>
      %select_n3A_148 = arith.select %lt3A_86, %mul3A_118, %mul3A_147 : vector<768x8x128xi1>, vector<768x8x128xf32>
      %sub3A_149 = arith.constant 384 : i32
      %sub3A_150 = vector.broadcast %sub3A_149 : i32 to vector<768x8x128xi32>
      %sub3A_151 = arith.subi %iota3A, %sub3A_150 : vector<768x8x128xi32>
      %select_n3A_152 = arith.select %lt3A_86, %iota3A, %sub3A_151 : vector<768x8x128xi1>, vector<768x8x128xi32>
      %jit3A_153 = arith.constant 2 : i32
      %div3A_154 = vector.broadcast %jit3A_153 : i32 to vector<768x8x128xi32>
      %div3A_155 = arith.divsi %select_n3A_152, %div3A_154 : vector<768x8x128xi32>
      %sign3A_156 = arith.constant 0 : i32
      %sign3A_157 = vector.broadcast %sign3A_156 : i32 to vector<768x8x128xi32>
      %sign3A_158 = arith.cmpi sgt, %select_n3A_152, %sign3A_157 : vector<768x8x128xi32>
      %sign3A_159 = arith.extui %sign3A_158 : vector<768x8x128xi1> to vector<768x8x128xi32>
      %sign3A_160 = arith.constant 0 : i32
      %sign3A_161 = vector.broadcast %sign3A_160 : i32 to vector<768x8x128xi32>
      %sign3A_162 = arith.cmpi slt, %select_n3A_152, %sign3A_161 : vector<768x8x128xi32>
      %sign3A_163 = arith.extui %sign3A_162 : vector<768x8x128xi1> to vector<768x8x128xi32>
      %sign3A_164 = arith.subi %sign3A_159, %sign3A_163 : vector<768x8x128xi32>
      %sign3A_165 = arith.constant 0 : i32
      %sign3A_166 = arith.cmpi sgt, %jit3A_153, %sign3A_165 : i32
      %sign3A_167 = arith.extui %sign3A_166 : i1 to i32
      %sign3A_168 = arith.constant 0 : i32
      %sign3A_169 = arith.cmpi slt, %jit3A_153, %sign3A_168 : i32
      %sign3A_170 = arith.extui %sign3A_169 : i1 to i32
      %sign3A_171 = arith.subi %sign3A_167, %sign3A_170 : i32
      %ne3A_172 = vector.broadcast %sign3A_171 : i32 to vector<768x8x128xi32>
      %ne3A_173 = arith.cmpi ne, %sign3A_164, %ne3A_172 : vector<768x8x128xi32>
      %rem3A_174 = vector.broadcast %jit3A_153 : i32 to vector<768x8x128xi32>
      %rem3A_175 = arith.remsi %select_n3A_152, %rem3A_174 : vector<768x8x128xi32>
      %ne3A_176 = arith.constant 0 : i32
      %ne3A_177 = vector.broadcast %ne3A_176 : i32 to vector<768x8x128xi32>
      %ne3A_178 = arith.cmpi ne, %rem3A_175, %ne3A_177 : vector<768x8x128xi32>
      %and3A_179 = arith.andi %ne3A_173, %ne3A_178 : vector<768x8x128xi1>
      %sub3A_180 = arith.constant 1 : i32
      %sub3A_181 = vector.broadcast %sub3A_180 : i32 to vector<768x8x128xi32>
      %sub3A_182 = arith.subi %div3A_155, %sub3A_181 : vector<768x8x128xi32>
      %select_n3A_183 = arith.select %and3A_179, %sub3A_182, %div3A_155 : vector<768x8x128xi1>, vector<768x8x128xi32>
      %convert_element_type3A_184 = arith.sitofp %select_n3A_183 : vector<768x8x128xi32> to vector<768x8x128xf32>
      %mul3A_185 = arith.constant 0.00520833349 : f32
      %mul3A_186 = vector.broadcast %mul3A_185 : f32 to vector<768x8x128xf32>
      %mul3A_187 = arith.mulf %mul3A_186, %convert_element_type3A_184 : vector<768x8x128xf32>
      %mul3A_188 = arith.constant -9.21034049 : f32
      %mul3A_189 = vector.broadcast %mul3A_188 : f32 to vector<768x8x128xf32>
      %mul3A_190 = arith.mulf %mul3A_187, %mul3A_189 : vector<768x8x128xf32>
      %exp3A = math.exp %mul3A_190 : vector<768x8x128xf32>
      %jit3A_191 = arith.constant 2 : i32
      %eq3A_192 = arith.constant 0 : i32
      %eq3A_193 = arith.cmpi eq, %jit3A_191, %eq3A_192 : i32
      %jit3A_194 = arith.constant 1 : i32
      %select_n3A_195 = arith.select %eq3A_193, %jit3A_194, %jit3A_191 : i32
      %rem3A_196 = vector.broadcast %select_n3A_195 : i32 to vector<768x8x128xi32>
      %rem3A_197 = arith.remsi %iota3A, %rem3A_196 : vector<768x8x128xi32>
      %ne3A_198 = arith.constant 0 : i32
      %ne3A_199 = vector.broadcast %ne3A_198 : i32 to vector<768x8x128xi32>
      %ne3A_200 = arith.cmpi ne, %rem3A_197, %ne3A_199 : vector<768x8x128xi32>
      %lt3A_201 = arith.constant 0 : i32
      %lt3A_202 = vector.broadcast %lt3A_201 : i32 to vector<768x8x128xi32>
      %lt3A_203 = arith.cmpi slt, %rem3A_197, %lt3A_202 : vector<768x8x128xi32>
      %lt3A_204 = arith.constant 0 : i32
      %lt3A_205 = arith.cmpi slt, %select_n3A_195, %lt3A_204 : i32
      %ne3A_206 = vector.broadcast %lt3A_205 : i1 to vector<768x8x128xi1>
      %ne3A_207 = vector.broadcast %ne3A_206 : vector<768x8x128xi1> to vector<768x8x128xi1>
      %ne3A_208 = arith.xori %lt3A_203, %ne3A_207 : vector<768x8x128xi1>
      %and3A_209 = arith.andi %ne3A_208, %ne3A_200 : vector<768x8x128xi1>
      %add3A_210 = vector.broadcast %select_n3A_195 : i32 to vector<768x8x128xi32>
      %add3A_211 = arith.addi %rem3A_197, %add3A_210 : vector<768x8x128xi32>
      %select_n3A_212 = arith.select %and3A_209, %add3A_211, %rem3A_197 : vector<768x8x128xi1>, vector<768x8x128xi32>
      %convert_element_type3A_213 = arith.sitofp %select_n3A_212 : vector<768x8x128xi32> to vector<768x8x128xf32>
      %mul3A_214 = arith.constant 1.57079637 : f32
      %mul3A_215 = vector.broadcast %mul3A_214 : f32 to vector<768x8x128xf32>
      %mul3A_216 = arith.mulf %convert_element_type3A_213, %mul3A_215 : vector<768x8x128xf32>
      %mul3A_217 = arith.mulf %select_n3A_148, %exp3A : vector<768x8x128xf32>
      %add3A_218 = arith.addf %mul3A_217, %mul3A_216 : vector<768x8x128xf32>
      %sin3A = math.sin %add3A_218 : vector<768x8x128xf32>
      %get3A_219 = arith.constant 0 : index
      %get3A_220 = arith.constant 1 : index
      %get3A_221 = vector.load %arg3[%get3A_219, %get3A_220] : memref<768x2xf32, #tpu.memory_space<vmem>>, vector<768x1xf32>
      %broadcast_in_dim3A_222 = vector.shape_cast %get3A_221 : vector<768x1xf32> to vector<768x1x1xf32>
      %add3A_223 = vector.broadcast %broadcast_in_dim3A_222 : vector<768x1x1xf32> to vector<768x8x128xf32>
      %add3A_224 = arith.addf %sin3A, %add3A_223 : vector<768x8x128xf32>
      %swap3A_225 = arith.constant 0 : index
      %swap3A_226 = arith.constant 0 : index
      %swap3A_227 = arith.constant 0 : index
      %swap3A_228 = vector.load %arg11[%swap3A_225, %swap3A_226, %swap3A_227] : memref<768x8x128xf32, #tpu.memory_space<vmem>>, vector<768x8x128xf32>
      tpu.vector_store %arg11[%swap3A_225, %swap3A_226, %swap3A_227], %add3A_224 {strides = array<i32>} : memref<768x8x128xf32, #tpu.memory_space<vmem>>, vector<768x8x128xf32>,
      %get3A_229 = arith.constant 0 : index
      %get3A_230 = arith.constant 0 : index
      %get3A_231 = vector.load %arg5[%get3A_229, %get3A_230] : memref<768x1xf32, #tpu.memory_space<vmem>>, vector<768x1xf32>
      %get3A_232 = arith.constant 0 : index
      %get3A_233 = arith.constant 0 : index
      %get3A_234 = vector.load %arg6[%get3A_232, %get3A_233] : memref<768x1xf32, #tpu.memory_space<vmem>>, vector<768x1xf32>
      %broadcast_in_dim3A_235 = vector.shape_cast %get3A_231 : vector<768x1xf32> to vector<768x1x1xf32>
      %broadcast_in_dim3A_236 = vector.shape_cast %broadcast_in_dim3A_235 : vector<768x1x1xf32> to vector<768x1x1xf32>
      %broadcast_in_dim3A_237 = vector.broadcast %broadcast_in_dim3A_236 : vector<768x1x1xf32> to vector<768x8x128xf32>
      %swap3A_238 = arith.constant 0 : index
      %swap3A_239 = arith.constant 0 : index
      %swap3A_240 = arith.constant 0 : index
      %swap3A_241 = vector.load %arg13[%swap3A_238, %swap3A_239, %swap3A_240] : memref<768x8x128xf32, #tpu.memory_space<vmem>>, vector<768x8x128xf32>
      tpu.vector_store %arg13[%swap3A_238, %swap3A_239, %swap3A_240], %broadcast_in_dim3A_237 {strides = array<i32>} : memref<768x8x128xf32, #tpu.memory_space<vmem>>, vector<768x8x128xf32>,
      %broadcast_in_dim3A_242 = vector.shape_cast %get3A_234 : vector<768x1xf32> to vector<768x1x1xf32>
      %broadcast_in_dim3A_243 = vector.shape_cast %broadcast_in_dim3A_242 : vector<768x1x1xf32> to vector<768x1x1xf32>
      %broadcast_in_dim3A_244 = vector.broadcast %broadcast_in_dim3A_243 : vector<768x1x1xf32> to vector<768x8x128xf32>
      %swap3A_245 = arith.constant 0 : index
      %swap3A_246 = arith.constant 0 : index
      %swap3A_247 = arith.constant 0 : index
      %swap3A_248 = vector.load %arg14[%swap3A_245, %swap3A_246, %swap3A_247] : memref<768x8x128xf32, #tpu.memory_space<vmem>>, vector<768x8x128xf32>
      tpu.vector_store %arg14[%swap3A_245, %swap3A_246, %swap3A_247], %broadcast_in_dim3A_244 {strides = array<i32>} : memref<768x8x128xf32, #tpu.memory_space<vmem>>, vector<768x8x128xf32>,
      %iota3A_249 = tpu.iota {dimensions = array<i32: 0>} : vector<64x768xi32>
      %convert_element_type3A_250 = arith.sitofp %iota3A_249 : vector<64x768xi32> to vector<64x768xf32>
      %iota3A_251 = tpu.iota {dimensions = array<i32: 1>} : vector<64x768xi32>
      %jit3A_252 = arith.constant 2 : i32
      %div3A_253 = vector.broadcast %jit3A_252 : i32 to vector<64x768xi32>
      %div3A_254 = arith.divsi %iota3A_251, %div3A_253 : vector<64x768xi32>
      %sign3A_255 = arith.constant 0 : i32
      %sign3A_256 = vector.broadcast %sign3A_255 : i32 to vector<64x768xi32>
      %sign3A_257 = arith.cmpi sgt, %iota3A_251, %sign3A_256 : vector<64x768xi32>
      %sign3A_258 = arith.extui %sign3A_257 : vector<64x768xi1> to vector<64x768xi32>
      %sign3A_259 = arith.constant 0 : i32
      %sign3A_260 = vector.broadcast %sign3A_259 : i32 to vector<64x768xi32>
      %sign3A_261 = arith.cmpi slt, %iota3A_251, %sign3A_260 : vector<64x768xi32>
      %sign3A_262 = arith.extui %sign3A_261 : vector<64x768xi1> to vector<64x768xi32>
      %sign3A_263 = arith.subi %sign3A_258, %sign3A_262 : vector<64x768xi32>
      %sign3A_264 = arith.constant 0 : i32
      %sign3A_265 = arith.cmpi sgt, %jit3A_252, %sign3A_264 : i32
      %sign3A_266 = arith.extui %sign3A_265 : i1 to i32
      %sign3A_267 = arith.constant 0 : i32
      %sign3A_268 = arith.cmpi slt, %jit3A_252, %sign3A_267 : i32
      %sign3A_269 = arith.extui %sign3A_268 : i1 to i32
      %sign3A_270 = arith.subi %sign3A_266, %sign3A_269 : i32
      %ne3A_271 = vector.broadcast %sign3A_270 : i32 to vector<64x768xi32>
      %ne3A_272 = arith.cmpi ne, %sign3A_263, %ne3A_271 : vector<64x768xi32>
      %rem3A_273 = vector.broadcast %jit3A_252 : i32 to vector<64x768xi32>
      %rem3A_274 = arith.remsi %iota3A_251, %rem3A_273 : vector<64x768xi32>
      %ne3A_275 = arith.constant 0 : i32
      %ne3A_276 = vector.broadcast %ne3A_275 : i32 to vector<64x768xi32>
      %ne3A_277 = arith.cmpi ne, %rem3A_274, %ne3A_276 : vector<64x768xi32>
      %and3A_278 = arith.andi %ne3A_272, %ne3A_277 : vector<64x768xi1>
      %sub3A_279 = arith.constant 1 : i32
      %sub3A_280 = vector.broadcast %sub3A_279 : i32 to vector<64x768xi32>
      %sub3A_281 = arith.subi %div3A_254, %sub3A_280 : vector<64x768xi32>
      %select_n3A_282 = arith.select %and3A_278, %sub3A_281, %div3A_254 : vector<64x768xi1>, vector<64x768xi32>
      %convert_element_type3A_283 = arith.sitofp %select_n3A_282 : vector<64x768xi32> to vector<64x768xf32>
      %mul3A_284 = arith.constant 0.00260416674 : f32
      %mul3A_285 = vector.broadcast %mul3A_284 : f32 to vector<64x768xf32>
      %mul3A_286 = arith.mulf %mul3A_285, %convert_element_type3A_283 : vector<64x768xf32>
      %mul3A_287 = arith.constant -9.21034049 : f32
      %mul3A_288 = vector.broadcast %mul3A_287 : f32 to vector<64x768xf32>
      %mul3A_289 = arith.mulf %mul3A_286, %mul3A_288 : vector<64x768xf32>
      %exp3A_290 = math.exp %mul3A_289 : vector<64x768xf32>
      %jit3A_291 = arith.constant 2 : i32
      %eq3A_292 = arith.constant 0 : i32
      %eq3A_293 = arith.cmpi eq, %jit3A_291, %eq3A_292 : i32
      %jit3A_294 = arith.constant 1 : i32
      %select_n3A_295 = arith.select %eq3A_293, %jit3A_294, %jit3A_291 : i32
      %rem3A_296 = vector.broadcast %select_n3A_295 : i32 to vector<64x768xi32>
      %rem3A_297 = arith.remsi %iota3A_251, %rem3A_296 : vector<64x768xi32>
      %ne3A_298 = arith.constant 0 : i32
      %ne3A_299 = vector.broadcast %ne3A_298 : i32 to vector<64x768xi32>
      %ne3A_300 = arith.cmpi ne, %rem3A_297, %ne3A_299 : vector<64x768xi32>
      %lt3A_301 = arith.constant 0 : i32
      %lt3A_302 = vector.broadcast %lt3A_301 : i32 to vector<64x768xi32>
      %lt3A_303 = arith.cmpi slt, %rem3A_297, %lt3A_302 : vector<64x768xi32>
      %lt3A_304 = arith.constant 0 : i32
      %lt3A_305 = arith.cmpi slt, %select_n3A_295, %lt3A_304 : i32
      %ne3A_306 = vector.broadcast %lt3A_305 : i1 to vector<64x768xi1>
      %ne3A_307 = vector.broadcast %ne3A_306 : vector<64x768xi1> to vector<64x768xi1>
      %ne3A_308 = arith.xori %lt3A_303, %ne3A_307 : vector<64x768xi1>
      %and3A_309 = arith.andi %ne3A_308, %ne3A_300 : vector<64x768xi1>
      %add3A_310 = vector.broadcast %select_n3A_295 : i32 to vector<64x768xi32>
      %add3A_311 = arith.addi %rem3A_297, %add3A_310 : vector<64x768xi32>
      %select_n3A_312 = arith.select %and3A_309, %add3A_311, %rem3A_297 : vector<64x768xi1>, vector<64x768xi32>
      %convert_element_type3A_313 = arith.sitofp %select_n3A_312 : vector<64x768xi32> to vector<64x768xf32>
      %mul3A_314 = arith.constant 1.57079637 : f32
      %mul3A_315 = vector.broadcast %mul3A_314 : f32 to vector<64x768xf32>
      %mul3A_316 = arith.mulf %convert_element_type3A_313, %mul3A_315 : vector<64x768xf32>
      %mul3A_317 = arith.mulf %convert_element_type3A_250, %exp3A_290 : vector<64x768xf32>
      %add3A_318 = arith.addf %mul3A_317, %mul3A_316 : vector<64x768xf32>
      %sin3A_319 = math.sin %add3A_318 : vector<64x768xf32>
      %get3A_320 = arith.constant 0 : index
      %get3A_321 = arith.constant 0 : index
      %get3A_322 = vector.load %arg4[%get3A_320, %get3A_321] : memref<2x768xf32, #tpu.memory_space<vmem>>, vector<1x768xf32>
      %add3A_323 = vector.broadcast %get3A_322 : vector<1x768xf32> to vector<64x768xf32>
      %add3A_324 = arith.addf %sin3A_319, %add3A_323 : vector<64x768xf32>
      %swap3A_325 = arith.constant 0 : index
      %swap3A_326 = arith.constant 0 : index
      %swap3A_327 = vector.load %arg12[%swap3A_325, %swap3A_326] : memref<64x768xf32, #tpu.memory_space<vmem>>, vector<64x768xf32>
      tpu.vector_store %arg12[%swap3A_325, %swap3A_326], %add3A_324 {strides = array<i32>} : memref<64x768xf32, #tpu.memory_space<vmem>>, vector<64x768xf32>,
    } else {
    }
    %get3A = arith.constant 0 : index
    %get3A_2 = arith.constant 0 : index
    %get3A_3 = vector.load %arg1[%get3A, %get3A_2] : memref<6144x128xf32, #tpu.memory_space<vmem>>, vector<6144x128xf32>
    %reshape3A = vector.shape_cast %get3A_3 : vector<6144x128xf32> to vector<768x8x128xf32>
    %get3A_4 = arith.constant 0 : index
    %get3A_5 = arith.constant 0 : index
    %get3A_6 = arith.constant 0 : index
    %get3A_7 = vector.load %arg11[%get3A_4, %get3A_5, %get3A_6] : memref<768x8x128xf32, #tpu.memory_space<vmem>>, vector<768x8x128xf32>
    %add3A = arith.addf %reshape3A, %get3A_7 : vector<768x8x128xf32>
    %reduce_sum3A = arith.constant dense<0.000000e+00> : vector<8x128xf32>
    %reduce_sum3A_8 = vector.multi_reduction <add>, %add3A, %reduce_sum3A [0] : vector<768x8x128xf32> to vector<8x128xf32>
    %broadcast_in_dim3A = vector.shape_cast %reduce_sum3A_8 : vector<8x128xf32> to vector<1x8x128xf32>
    %mul3A = arith.mulf %add3A, %add3A : vector<768x8x128xf32>
    %reduce_sum3A_9 = arith.constant dense<0.000000e+00> : vector<8x128xf32>
    %reduce_sum3A_10 = vector.multi_reduction <add>, %mul3A, %reduce_sum3A_9 [0] : vector<768x8x128xf32> to vector<8x128xf32>
    %broadcast_in_dim3A_11 = vector.shape_cast %reduce_sum3A_10 : vector<8x128xf32> to vector<1x8x128xf32>
    %mul3A_12 = arith.constant 0.00130208337 : f32
    %mul3A_13 = vector.broadcast %mul3A_12 : f32 to vector<1x8x128xf32>
    %mul3A_14 = arith.mulf %broadcast_in_dim3A, %mul3A_13 : vector<1x8x128xf32>
    %mul3A_15 = arith.constant 0.00130208337 : f32
    %mul3A_16 = vector.broadcast %mul3A_15 : f32 to vector<1x8x128xf32>
    %mul3A_17 = arith.mulf %broadcast_in_dim3A_11, %mul3A_16 : vector<1x8x128xf32>
    %mul3A_18 = arith.mulf %mul3A_14, %mul3A_14 : vector<1x8x128xf32>
    %sub3A = arith.subf %mul3A_17, %mul3A_18 : vector<1x8x128xf32>
    %add3A_19 = arith.constant 9.99999996E-13 : f32
    %add3A_20 = vector.broadcast %add3A_19 : f32 to vector<1x8x128xf32>
    %add3A_21 = arith.addf %sub3A, %add3A_20 : vector<1x8x128xf32>
    %rsqrt3A = math.rsqrt %add3A_21 : vector<1x8x128xf32>
    %sub3A_22 = vector.broadcast %mul3A_14 : vector<1x8x128xf32> to vector<768x8x128xf32>
    %sub3A_23 = arith.subf %add3A, %sub3A_22 : vector<768x8x128xf32>
    %mul3A_24 = vector.broadcast %rsqrt3A : vector<1x8x128xf32> to vector<768x8x128xf32>
    %mul3A_25 = arith.mulf %sub3A_23, %mul3A_24 : vector<768x8x128xf32>
    %get3A_26 = arith.constant 0 : index
    %get3A_27 = arith.constant 0 : index
    %get3A_28 = arith.constant 0 : index
    %get3A_29 = vector.load %arg13[%get3A_26, %get3A_27, %get3A_28] : memref<768x8x128xf32, #tpu.memory_space<vmem>>, vector<768x8x128xf32>
    %mul3A_30 = arith.mulf %mul3A_25, %get3A_29 : vector<768x8x128xf32>
    %get3A_31 = arith.constant 0 : index
    %get3A_32 = arith.constant 0 : index
    %get3A_33 = arith.constant 0 : index
    %get3A_34 = vector.load %arg14[%get3A_31, %get3A_32, %get3A_33] : memref<768x8x128xf32, #tpu.memory_space<vmem>>, vector<768x8x128xf32>
    %add3A_35 = arith.addf %mul3A_30, %get3A_34 : vector<768x8x128xf32>
    %reshape3A_36 = vector.shape_cast %add3A_35 : vector<768x8x128xf32> to vector<6144x128xf32>
    %swap3A = arith.constant 0 : index
    %swap3A_37 = arith.constant 0 : index
    %swap3A_38 = vector.load %arg9[%swap3A, %swap3A_37] : memref<6144x128xf32, #tpu.memory_space<vmem>>, vector<6144x128xf32>
    tpu.vector_store %arg9[%swap3A, %swap3A_37], %reshape3A_36 {strides = array<i32>} : memref<6144x128xf32, #tpu.memory_space<vmem>>, vector<6144x128xf32>,
    %get3A_39 = arith.constant 0 : index
    %get3A_40 = arith.constant 0 : index
    %get3A_41 = vector.load %arg2[%get3A_39, %get3A_40] : memref<64x768xf32, #tpu.memory_space<vmem>>, vector<64x768xf32>
    %get3A_42 = arith.constant 0 : index
    %get3A_43 = arith.constant 0 : index
    %get3A_44 = vector.load %arg12[%get3A_42, %get3A_43] : memref<64x768xf32, #tpu.memory_space<vmem>>, vector<64x768xf32>
    %add3A_45 = arith.addf %get3A_41, %get3A_44 : vector<64x768xf32>
    %reduce_sum3A_46 = arith.constant dense<0.000000e+00> : vector<64xf32>
    %reduce_sum3A_47 = vector.multi_reduction <add>, %add3A_45, %reduce_sum3A_46 [1] : vector<64x768xf32> to vector<64xf32>
    %broadcast_in_dim3A_48 = vector.shape_cast %reduce_sum3A_47 : vector<64xf32> to vector<64x1xf32>
    %div3A = arith.constant 7.680000e+02 : f32
    %div3A_49 = vector.broadcast %div3A : f32 to vector<64x1xf32>
    %div3A_50 = arith.divf %broadcast_in_dim3A_48, %div3A_49 : vector<64x1xf32>
    %sub3A_51 = vector.broadcast %div3A_50 : vector<64x1xf32> to vector<64x768xf32>
    %sub3A_52 = arith.subf %add3A_45, %sub3A_51 : vector<64x768xf32>
    %mul3A_53 = arith.mulf %sub3A_52, %sub3A_52 : vector<64x768xf32>
    %reduce_sum3A_54 = arith.constant dense<0.000000e+00> : vector<64xf32>
    %reduce_sum3A_55 = vector.multi_reduction <add>, %mul3A_53, %reduce_sum3A_54 [1] : vector<64x768xf32> to vector<64xf32>
    %broadcast_in_dim3A_56 = vector.shape_cast %reduce_sum3A_55 : vector<64xf32> to vector<64x1xf32>
    %div3A_57 = arith.constant 7.680000e+02 : f32
    %div3A_58 = vector.broadcast %div3A_57 : f32 to vector<64x1xf32>
    %div3A_59 = arith.divf %broadcast_in_dim3A_56, %div3A_58 : vector<64x1xf32>
    %add3A_60 = arith.constant 9.99999996E-13 : f32
    %add3A_61 = vector.broadcast %add3A_60 : f32 to vector<64x1xf32>
    %add3A_62 = arith.addf %div3A_59, %add3A_61 : vector<64x1xf32>
    %rsqrt3A_63 = math.rsqrt %add3A_62 : vector<64x1xf32>
    %mul3A_64 = vector.broadcast %rsqrt3A_63 : vector<64x1xf32> to vector<64x768xf32>
    %mul3A_65 = arith.mulf %sub3A_52, %mul3A_64 : vector<64x768xf32>
    %get3A_66 = arith.constant 0 : index
    %get3A_67 = arith.constant 0 : index
    %get3A_68 = vector.load %arg7[%get3A_66, %get3A_67] : memref<1x768xf32, #tpu.memory_space<vmem>>, vector<1x768xf32>
    %mul3A_69 = vector.broadcast %get3A_68 : vector<1x768xf32> to vector<64x768xf32>
    %mul3A_70 = arith.mulf %mul3A_65, %mul3A_69 : vector<64x768xf32>
    %get3A_71 = arith.constant 0 : index
    %get3A_72 = arith.constant 0 : index
    %get3A_73 = vector.load %arg8[%get3A_71, %get3A_72] : memref<1x768xf32, #tpu.memory_space<vmem>>, vector<1x768xf32>
    %add3A_74 = vector.broadcast %get3A_73 : vector<1x768xf32> to vector<64x768xf32>
    %add3A_75 = arith.addf %mul3A_70, %add3A_74 : vector<64x768xf32>
    %swap3A_76 = arith.constant 0 : index
    %swap3A_77 = arith.constant 0 : index
    %swap3A_78 = vector.load %arg10[%swap3A_76, %swap3A_77] : memref<64x768xf32, #tpu.memory_space<vmem>>, vector<64x768xf32>
    tpu.vector_store %arg10[%swap3A_76, %swap3A_77], %add3A_75 {strides = array<i32>} : memref<64x768xf32, #tpu.memory_space<vmem>>, vector<64x768xf32>,
    return
  }
  func.func @transform_0(%arg0: i32) -> (i32, i32) {
    %c0_i32 = arith.constant 0 : i32
    %c0_i32_0 = arith.constant 0 : i32
    return %arg0, %c0_i32 : i32, i32
  }
  func.func @transform_1(%arg0: i32) -> (i32, i32) {
    %c0_i32 = arith.constant 0 : i32
    %c0_i32_0 = arith.constant 0 : i32
    return %arg0, %c0_i32 : i32, i32
  }
  func.func @transform_2(%arg0: i32) -> (i32, i32) {
    %c0_i32 = arith.constant 0 : i32
    %c0_i32_0 = arith.constant 0 : i32
    %c0_i32_1 = arith.constant 0 : i32
    return %c0_i32, %c0_i32_0 : i32, i32
  }
  func.func @transform_3(%arg0: i32) -> (i32, i32) {
    %c0_i32 = arith.constant 0 : i32
    %c0_i32_0 = arith.constant 0 : i32
    %c0_i32_1 = arith.constant 0 : i32
    return %c0_i32, %c0_i32_0 : i32, i32
  }
  func.func @transform_4(%arg0: i32) -> (i32, i32) {
    %c0_i32 = arith.constant 0 : i32
    %c0_i32_0 = arith.constant 0 : i32
    %c0_i32_1 = arith.constant 0 : i32
    return %c0_i32, %c0_i32_0 : i32, i32
  }
  func.func @transform_5(%arg0: i32) -> (i32, i32) {
    %c0_i32 = arith.constant 0 : i32
    %c0_i32_0 = arith.constant 0 : i32
    %c0_i32_1 = arith.constant 0 : i32
    return %c0_i32, %c0_i32_0 : i32, i32
  }
  func.func @transform_6(%arg0: i32) -> (i32, i32) {
    %c0_i32 = arith.constant 0 : i32
    %c0_i32_0 = arith.constant 0 : i32
    %c0_i32_1 = arith.constant 0 : i32
    return %c0_i32, %c0_i32_0 : i32, i32
  }
  func.func @transform_7(%arg0: i32) -> (i32, i32) {
    %c0_i32 = arith.constant 0 : i32
    %c0_i32_0 = arith.constant 0 : i32
    %c0_i32_1 = arith.constant 0 : i32
    return %c0_i32, %c0_i32_0 : i32, i32
  }
  func.func @transform_8(%arg0: i32) -> (i32, i32) {
    %c0_i32 = arith.constant 0 : i32
    %c0_i32_0 = arith.constant 0 : i32
    return %arg0, %c0_i32 : i32, i32
  }
  func.func @transform_9(%arg0: i32) -> (i32, i32) {
    %c0_i32 = arith.constant 0 : i32
    %c0_i32_0 = arith.constant 0 : i32
    return %arg0, %c0_i32 : i32, i32
  }
}

</mosaic_0001>

<sc_bundles>
// kernel: sparse-core-data-format-call.cloned.1.call-start
scs
called_computation_lowered:
.L_overlay_start_0:
0x0: {  	s2 =	sld [smem:$0x3FD9]  }
0x1: {  	s3 =	sld [smem:$0x3FFE];
	_ =	sdelay $0x1  }
0x2: {  	s1 =	srdreg.scid  }
0x3: {  	s0 =	sand.u32 $0x1, s1  }
0x4: {  	s15 =	sshll.u32 s0, $0xA;
	s2 =	sadd.s32 s3, s2  }
0x5: {  	s2 =	sadd.s32 s2, s15  }
0x6: {  	[smem:$0x3FC3] =	sst s2  }
0x7: {  	_ = 	snop  }
0x8: {  	s2 =	sld [smem:$0x3FD0];
	_ =	sdelay $0x2  }
0x9: {  	s16 =	simm.s32 $0xA;
	s4 =	simm.s32 $0x10  }
0xa: {  	[smem:s4], [sflag:s16] =	dma.local [hbm:s2], $0x1  }
0xb: {  	_ =	swait.eq [sflag:s16], $0x1  }
0xc: {  	[sflag:s16] =	ssyncset.done $0x0  }
0xd: {  	[sflag:s16] =	ssyncadd.s32 $0xFFFFFFFF  }
0xe: {  	s17 =	sld [smem:$0x10];
	(tm) =	ssettm $0x1  }
0xf: {  	s18 =	sld [smem:$0x3FFB];
	_ =	sdelay $0x3  }
0x10: {  	_ =	strace s18  }
0x11: {  	s3 =	sld [smem:$0x3FFC];
	_ =	sdelay $0x3  }
0x12: {  	_ =	strace s3  }
0x13: {  	s3 =	sld [smem:$0x3FFD];
	_ =	sdelay $0x3  }
0x14: {  	_ =	strace s3  }
0x15: {  	_ =	strace $0x8FFFFFFF  }
0x16: {  	s19 =	sld [smem:$0x3FDB];
	_ =	sdelay $0x1  }
0x17: {  	s20 =	simm.s32 $_scs_section_size  }
0x18: {  	s5 =	simm.s32 $_size__tile_overlayer_lowered;
	s6 =	simm.s32 $_tile_overlayer_lowered  }
0x19: {  	s23 =	simm.s32 $0x1BFF;
	s22 =	sshll.u32 s6, $0x1;
	s3 =	sadd.s32 s20, s19  }
0x1a: {  	s7 =	simm.s32 $0x0;
	s21 =	sshll.u32 s5, $0x1;
	s5 =	sadd.s32 s22, s3  }
0x1b: {  	[timem:s7], [sflag:s23] =	dma.local [hbm:s5], s21  }
0x1c: {  	_ =	swait.ge [sflag:s23], s21  }
0x1d: {  	s4 =	ssub.s32 $0x0, s21;
	[sflag:s23] =	ssyncset.done $0x0  }
0x1e: {  	[sflag:s23] =	ssyncadd.s32 s4;
	_ =	sdelay $0x1  }
0x1f: {  	s24 =	simm.s32 $0x1B8B  }
0x20: {  	_ =	swait.ge [sflag:s24], $0x1  }
0x21: {  	[sflag:s24] =	ssyncset.done $0x0  }
0x22: {  	s26 =	simm.s32 $0x1B8E;
	s25 =	sld [smem:$0x3FFE];
	[sflag:s24] =	ssyncadd.s32 $0xFFFFFFFF  }
0x23: {  	s27 =	simm.s32 $execute0_lowered;
	[smem:$0x3FD2] =	sst s26  }
0x24: {  	s5 =	sshll.u32 s27, $0x1;
	_ =	strace $0x80000046;
	[dreg:$0x1] =	wrdreg $0xFFFFFFFF  }
0x25: {  	s28 =	simm.s32 $_size_execute0_lowered;
	s3 =	sadd.s32 s3, s5;
	[dreg:$0x0] =	wrdreg $0x0  }
0x26: {  	s5 =	sshll.u32 s28, $0x1;
	[dreg:$0x2] =	wrdreg s3  }
0x27: {  	[dreg:$0x3] =	wrdreg s5  }
0x28: {  	[dreg:$0x4] =	wrdreg $0xC0  }
0x29: {  	_ =	task [dreg:s7], $0x5FFFF  }
0x2a: {  	[dreg:$0x1] =	wrdreg $0xFFFFFFFF  }
0x2b: {  	[dreg:$0x0] =	wrdreg $0x60  }
0x2c: {  	[dreg:$0x2] =	wrdreg s25  }
0x2d: {  	[dreg:$0x3] =	wrdreg s17  }
0x2e: {  	[dreg:$0x4] =	wrdreg $0x9  }
0x2f: {  	_ =	task.clear_ibuf [dreg:s7], $0x5FFFF;
	_ =	strace $0x90000046  }
0x30: {  	s29 =	simm.s32 $0x9;
	_ =	strace $0x80000048  }
0x31: {  	_ =	swait.ge [sflag:s29], $0x1  }
0x32: {  	[sflag:s29] =	ssyncadd.s32 $0xFFFFFFFF  }
0x33: {  	_ =	strace $0x90000048  }
0x34: {  	_ =	sfence  }
0x35: {  	s30 =	sld [smem:$0x0];
	_ =	sdelay $0x2  }
0x36: {  	s31 =	sshll.u32 s1, $0xD;
	s1 =	sshrl.u32 s1, $0x2  }
0x37: {  	s3 =	sand.u32 $0x4000, s31;
	s1 =	sadd.s32 s1, s30  }
0x38: {  	s0 =	sor.u32 s3, s0;
	s1 =	sshll.u32 s1, $0x11  }
0x39: {  	s0 =	sor.u32 s1, s0  }
0x3a: {  	s0 =	sadd.s32 $0x8F2B, s0  }
0x3b: {  	[sflag:s0] =	ssyncadd.remote.s32 $0x1  }
0x3c: {  	_ =	sfence.sel $0xFFFF  }
0x3d: {  	[dreg:$0x0] =	wrdreg $0xFFFFFFFF;
	(pc) =	sbr.abs _section_cstart, $3  }
0x3e: {  	[dreg:$0x1] =	wrdreg $0xFFFFFFFF  }
0x3f: {  	_ =	task.clear_ibuf [dreg:s7], $0x2FFFF;
	_ =	strace $0x9FFFFFFF  }
0x40: {  	(tm) =	ssettm $0x7FFFFFFF  }
0x41: {  	_ =	shalt  }
tec
execute0_lowered:
.L_overlay_start_1:
0x0: {  	(tag) =	ssettag $0x1  }
0x1: {  	s3 =	rddreg [dreg:$0x0]  }
0x2: {  	s0 =	srdreg.scid;
	s2 =	rddreg [dreg:$0x1]  }
0x3: {  	s4 =	simm.s32 $0x1;
	s7 =	simm.s32 $0x2;
	s13 =	simm.s32 $0x0  }
0x4: {  	p0 =	por $0x0, $0x0;
	s8 =	simm.s32 $0x1800;
	s1 =	sand.u32 $0x1, s0  }
0x5: {  	s15 =	simm.s32 $0x0;
	s14 =	simm.s32 $0x0;
	s5 =	ssub.s32 $0x20, s1  }
.Ltmp0:
0x6: {  	s10 =	simm.s32 $0x0;
	s6 =	sshrl.u32 s5, $0x1;
	(pc) =	sbr.rel .LBB1_1-.Ltmp0, $4  }
0x7: {  	s0 =	rddreg [dreg:$0x2];
	_ =	strace $0x80000047;
	s5 =	ssub.s32 s5, s6  }
0x8: {  	s11 =	stileid.u32;
	[sflag:s4] =	ssyncpa.u1 $0x0;
	s5 =	smul.u32 $0x6, s5  }
0x9: {  	s12 =	simm.s32 $0x0;
	s9 =	smov.u32 s1;
	[sflag:s7] =	ssyncpa.u1 $0x0  }
0xa: {  	s6 =	sadd.s32 $0x180A00, s3;
	s3 =	stileid.u32;
	s7 =	sor.u32 $0x1, s5  }
.LBB1_4:
0xb: {  	s18 =	sshll.u32 s15, $0x3  }
0xc: {  	s30 =	sand.u32 $0x7F, s15;
	s18 =	sand.u32 $0xFFFFFC00, s18  }
0xd: {  	s15 =	sor.u32 s30, s18  }
0xe: {  	s19 =	smulhi.u32 $0xAAAAAAAB, s15  }
0xf: {  	s18 =	smulhi.u32 $0xAAAAAAAB, s18  }
0x10: {  	s14 =	smul.u32 $0x18000, s14;
	s19 =	sshrl.u32 s19, $0x9  }
0x11: {  	s18 =	sshrl.u32 s18, $0x9;
	s19 =	smul.u32 $0x300, s19  }
0x12: {  	s13 =	smul.u32 $0xC00, s13;
	s18 =	sand.u32 $0x1F, s18  }
0x13: {  	s14 =	sadd.s32 s2, s14;
	s18 =	smul.u32 $0x60, s18;
	s15 =	ssub.s32 s15, s19  }
0x14: {  	s13 =	sadd.s32 s13, s14;
	s31 =	sand.u32 $0x7, s15  }
0x15: {  	s13 =	sadd.s32 s18, s13;
	s15 =	sshrl.u32 s15, $0x3;
	s14 =	sshll.u32 s31, $0x12  }
0x16: {  	[tilespmem:s17+$0x0 ss:$0x81] =	vst.msk $0xffff, v0;
	s13 =	sadd.s32 s15, s13;
	s14 =	sor.u32 $0x400, s14  }
0x17: {  	[hbm4b:s13+s14] =	stream.strided.scatter [tilespmem:s16], [sflag:$0x2], $0x1000, s8, s14, $0x20;
	[tilespmem:$0x4040] =	vst v63  }
.LBB1_5:
0x18: {  	s16 =	sadd.s32 $0x2, s9  }
0x19: {  	s13 =	sadd.s32 $0x80, s10;
	s17 =	smov.u32 s10;
	p2 =	sgt.s32 s16, $0x1F  }
0x1a: {  	s17 =	smov.u32 @p2 s13  }
0x1b: {  	s19 =	smov.u32 s11;
	s13 =	sadd.s32 $0x10, s11;
	p3 =	sgt.s32 s17, $0x2FF  }
0x1c: {  	s19 =	smov.u32 @p3 s13  }
0x1d: {  	s16 =	smov.u32 @p2 s1;
	p2 =	sgt.s32 s19, $0xF  }
0x1e: {  	p1 =	slt.u32 s12, $0x2;
	s19 =	smov.u32 @p2 s3;
	p2 =	sne.s32 s12, s7  }
.Ltmp1:
0x1f: {  	s18 =	simm.s32 @!p1 $0x2;
	(pc) =	sbr.rel @!p2 .LBB1_6-.Ltmp1, $4  }
0x20: {  	s15 =	smov.u32 s10;
	s14 =	smov.u32 s11;
	_ =	swait.ge @!p1 [sflag:s18], $0x1000  }
0x21: {  	p0 =	por !p0, !p0;
	[sflag:s18] =	ssyncset.done @!p1 $0x0;
	s17 =	simm.s32 @p3 $0x0  }
0x22: {  	s13 =	smov.u32 s9;
	[sflag:s18] =	ssyncadd.s32 @!p1 $0xFFFFF000;
	s9 =	smov.u32 s16  }
0x23: {  	s10 =	smov.u32 s17;
	s12 =	sadd.s32 $0x1, s12;
	s11 =	smov.u32 s19  }
.LBB1_1:
0x24: {  	p1 =	sge.u32 s12, s5  }
0x25: {  	s17 =	smul.u32 @!p1 $0x60000, s11  }
0x26: {  	s31 =	sadd.s32 $0xFFFFFFFF, s12;
	s16 =	sxor.u32 @!p1 $0xFFFFFFFF, s12;
	s18 =	sshll.u32 @!p1 s10, $0x9  }
0x27: {  	s19 =	sshll.u32 @!p1 s9, $0x4;
	s16 =	sshll.u32 @!p1 s16, $0xC;
	s17 =	sadd.s32 @!p1 s6, s17  }
0x28: {  	s19 =	sand.u32 @!p1 $0x1F0, s19;
	s16 =	sand.u32 @!p1 $0x1000, s16;
	s17 =	sadd.s32 @!p1 s18, s17  }
0x29: {  	s18 =	simm.s32 @!p1 $0x20;
	s17 =	sadd.s32 @!p1 s19, s17;
	s19 =	simm.s32 @!p1 $0x1000  }
0x2a: {  	[tilespmem:s16], [sflag:$0x1] =	stream.strided.gather @!p1 [hbm4b:s17+s18], $0x1000, s19, s18, $0x38;
	[tilespmem:$0x4040] =	vst v63  }
0x2b: {  	p1 =	sge.u32 s31, s5  }
.Ltmp2:
0x2c: {  	_ = 	snop;
	(pc) =	sbr.rel @p1 .LBB1_5-.Ltmp2, $1  }
0x2d: {  	_ =	sdelay $0x3  }
0x2e: {  	s16 =	simm.s32 $0x1  }
0x2f: {  	_ =	swait.ge [sflag:s4], $0x1000;
	s16 =	simm.s32 @!p0 $0x0  }
0x30: {  	[sflag:s4] =	ssyncset.done $0x0;
	s17 =	sshll.u32 s16, $0xC  }
0x31: {  	[sflag:s4] =	ssyncadd.s32 $0xFFFFF000;
	s20 =	sor.u32 $0x10, s17  }
0x32: {  	s16 =	smul.u32 $0x4080, s16;
	v1 =	vld [tilespmem:s20+$0x0]  }
0x33: {  	s30 =	sand.u32 $0x1, s12;
	v0 =	vld [tilespmem:s20+$0xFFFFFFF0]  }
0x34: {  	s17 =	smul.u32 $0x4080, s30;
	s16 =	sshrl.u32 s16, $0x2  }
0x35: {  	s18 =	sor.u32 $0x2000, s16  }
0x36: {  	s31 =	sshrl.u32 s17, $0x2;
	s17 =	sadd.s32 $0x0, s18  }
0x37: {  	s19 =	simm.s32 $0x4;
	s20 =	sadd.s32 $0x20, s20;
	s16 =	sor.u32 $0x2000, s31;
	[tilespmem:s17+$0x810 ss:$0x81] =	vst.msk $0xffff, v1  }
.LBB1_3:
0x38: {  	v1 =	vld [tilespmem:s20+$0x0];
	p1 =	sne.s32 s19, $0x1FC;
	[tilespmem:s17+$0x0 ss:$0x81] =	vst.msk $0xffff, v0;
	s17 =	smov.u32 s19;
	s19 =	sadd.s32 $0x4, s19  }
.Ltmp3:
0x39: {  	v0 =	vld [tilespmem:s20+$0xFFFFFFF0];
	(pc) =	sbr.rel @p1 .LBB1_3-.Ltmp3, $4  }
0x3a: {  	_ = 	snop  }
0x3b: {  	s17 =	sshra.s32 s17, $0x2  }
0x3c: {  	s17 =	sadd.s32 s17, s18  }
0x3d: {  	s20 =	sadd.s32 $0x20, s20;
	[tilespmem:s17+$0x810 ss:$0x81] =	vst.msk $0xffff, v1  }
.Ltmp4:
0x3e: {  	_ = 	snop;
	(pc) =	sbr.rel .LBB1_4-.Ltmp4, $1  }
0x3f: {  	_ =	sdelay $0x3  }
.LBB1_6:
0x40: {  	_ =	sfence.sel $0x180000  }
0x41: {  	s1 =	simm.s32 $0x1;
	[bflag:$0x0] =	sbarrier.arrive $0xFFFF  }
0x42: {  	s31 =	simm.s32 $0x2;
	[sflag:s1] =	ssyncpa.u1 $0x1  }
0x43: {  	[sflag:s31] =	ssyncpa.u1 $0x1  }
0x44: {  	p0 =	sne.s32 s3, $0x0;
	_ =	strace $0x90000047  }
0x45: {  	s0 =	sadd.s32 @!p0 $0x100000, s0;
	[bflag:$0x2] =	sbarrier.arrive $0xFFFF  }
0x46: {  	[sflag:s0] =	ssyncadd.tile.s32 @!p0 $0x1;
	_ =	shalt  }
.Lfunc_end1:
_tile_overlayer_lowered:
.L_overlay_start_2:
0x47: {  	(tag) =	ssettag $0x2  }
0x48: {  	s0 =	rddreg [dreg:$0x0];
	s2 =	stileid.u32  }
0x49: {  	s1 =	rddreg [dreg:$0x1];
	p0 =	sne.s32 s2, $0x0  }
0x4a: {  	s3 =	rddreg [dreg:$0x2];
	[bflag:$0x3] =	sbarrier.arrive $0xFFFF;
	s2 =	simm.s32 @!p0 $0x1C01  }
0x4b: {  	[timem:s3], [sflag:s2] =	dma.local @!p0 [hbm:s0], s1  }
0x4c: {  	s0 =	simm.s32 @!p0 $0x1  }
0x4d: {  	_ =	swait.ge @!p0 [sflag:s0], s1  }
0x4e: {  	s1 =	ssub.s32 @!p0 $0x0, s1;
	[sflag:s0] =	ssyncset.done @!p0 $0x0  }
0x4f: {  	[sflag:s0] =	ssyncadd.s32 @!p0 s1  }
0x50: {  	[bflag:$0x3] =	sbarrier.arrive $0xFFFF  }
0x51: {  	_ =	shalt  }

</sc_bundles>
